<compile_context>
chip_gen: v7x
topology: tpu7x:2x2x1
jax: 0.10.2.dev20260603
libtpu: 0.0.44.dev20260713+nightly
codegen_flags: <defaults>
</compile_context>

<pallas_src>
import jax
import jax.numpy as jnp
from jax.experimental import pallas as pl

N = 512
F = 14
H = 64
LAT = 64
B = 64


def _gcn_body(x_ref, a_ref, wg_ref, bg_ref, scale_ref, beta_ref, h_ref):
    xw = jax.lax.dot(x_ref[0], wg_ref[...], preferred_element_type=jnp.float32)
    h = jax.lax.dot(a_ref[0], xw, preferred_element_type=jnp.float32) + bg_ref[...]
    h = jnp.maximum(h, 0.0)
    h_ref[0] = h * scale_ref[...] + beta_ref[...]


def _latent_body(f_ref, w1_ref, b1_ref, wzm_ref, bzm_ref, wzl_ref, bzl_ref,
                 eps_ref, w3_ref, b3_ref, z_ref, x5_ref):
    x3 = jax.lax.dot(f_ref[...], w1_ref[...], preferred_element_type=jnp.float32)
    x3 = jnp.maximum(x3 + b1_ref[...], 0.0)
    zm = jax.lax.dot(x3, wzm_ref[...], preferred_element_type=jnp.float32) + bzm_ref[...]
    zl = jax.lax.dot(x3, wzl_ref[...], preferred_element_type=jnp.float32) + bzl_ref[...]
    z = zm + jnp.exp(0.5 * zl) * eps_ref[...]
    z_ref[...] = z
    x5 = jax.lax.dot(z, w3_ref[...], preferred_element_type=jnp.float32) + b3_ref[...]
    x5_ref[...] = jnp.tanh(x5)


def _adj_body(z_ref, w2_ref, b2_ref, o_ref):
    o = jax.lax.dot(z_ref[...], w2_ref[...], preferred_element_type=jnp.float32)
    o_ref[...] = jax.nn.sigmoid(o + b2_ref[...])


def kernel(x, a, eps, W_gcn, b_gcn, gamma, beta, W1, b1, Wzm, bzm, Wzl, bzl,
           W2, b2, W3, b3):
    scale = (gamma / jnp.sqrt(1.0 + 1e-3)).reshape(1, H)
    hfull = pl.pallas_call(
        _gcn_body,
        grid=(B,),
        in_specs=[
            pl.BlockSpec((1, N, F), lambda b: (b, 0, 0)),
            pl.BlockSpec((1, N, N), lambda b: (b, 0, 0)),
            pl.BlockSpec((F, H), lambda b: (0, 0)),
            pl.BlockSpec((1, H), lambda b: (0, 0)),
            pl.BlockSpec((1, H), lambda b: (0, 0)),
            pl.BlockSpec((1, H), lambda b: (0, 0)),
        ],
        out_specs=pl.BlockSpec((1, N, H), lambda b: (b, 0, 0)),
        out_shape=jax.ShapeDtypeStruct((B, N, H), jnp.float32),
    )(x, a, W_gcn, b_gcn.reshape(1, H), scale, beta.reshape(1, H))

    f = hfull.reshape(B, N * H)
    z, x5 = pl.pallas_call(
        _latent_body,
        out_shape=(jax.ShapeDtypeStruct((B, LAT), jnp.float32),
                   jax.ShapeDtypeStruct((B, N * F), jnp.float32)),
    )(f, W1, b1.reshape(1, LAT), Wzm, bzm.reshape(1, LAT),
      Wzl, bzl.reshape(1, LAT), eps, W3, b3.reshape(1, N * F))

    CT = 4096
    decA = pl.pallas_call(
        _adj_body,
        grid=(N * N // CT,),
        in_specs=[
            pl.BlockSpec((B, LAT), lambda k: (0, 0)),
            pl.BlockSpec((LAT, CT), lambda k: (0, k)),
            pl.BlockSpec((1, CT), lambda k: (0, k)),
        ],
        out_specs=pl.BlockSpec((B, CT), lambda k: (0, k)),
        out_shape=jax.ShapeDtypeStruct((B, N * N), jnp.float32),
    )(z, W2, b2.reshape(1, N * N))

    return (x5.reshape(B, N, F), decA.reshape(B, N, N))

# --- scband reference (transcript-rebuilt; emitter-appended) ---
"""Pipeline reference for scband-autoencoder-5119601017602 (READ-ONLY COPY).

The authoritative reference and input builder live on the scoring server;
editing this copy changes nothing except your own understanding.
"""

import jax, jax.numpy as jnp
import numpy as np

N = 512
F = 14
H = 64
LAT = 64
B = 64


def setup_inputs(seed: int = 0) -> dict:
    key = jax.random.key(seed)
    ks = jax.random.split(key, 20)
    x = jax.random.normal(ks[0], (B, N, F), dtype=jnp.float32)
    a = jax.random.uniform(ks[1], (B, N, N), dtype=jnp.float32)
    eps = jax.random.normal(ks[2], (B, LAT), dtype=jnp.float32)
    # GCNConv params
    W_gcn = jax.random.normal(ks[3], (F, H), dtype=jnp.float32) * (1.0 / np.sqrt(F))
    b_gcn = jnp.zeros((H,), dtype=jnp.float32)
    # BatchNorm params (inference mode: moving_mean=0, moving_var=1)
    gamma = jnp.ones((H,), dtype=jnp.float32)
    beta = jnp.zeros((H,), dtype=jnp.float32)
    # dense1: flatten(N*H) -> latent
    W1 = jax.random.normal(ks[4], (N * H, LAT), dtype=jnp.float32) * (1.0 / np.sqrt(N * H))
    b1 = jnp.zeros((LAT,), dtype=jnp.float32)
    # z_mean / z_log_var heads
    Wzm = jax.random.normal(ks[5], (LAT, LAT), dtype=jnp.float32) * (1.0 / np.sqrt(LAT))
    bzm = jnp.zeros((LAT,), dtype=jnp.float32)
    Wzl = jax.random.normal(ks[6], (LAT, LAT), dtype=jnp.float32) * (1.0 / np.sqrt(LAT))
    bzl = jnp.zeros((LAT,), dtype=jnp.float32)
    # dense2: latent -> N*N (adjacency decoder)
    W2 = jax.random.normal(ks[7], (LAT, N * N), dtype=jnp.float32) * (1.0 / np.sqrt(LAT))
    b2 = jnp.zeros((N * N,), dtype=jnp.float32)
    # dense3: latent -> N*14 (feature decoder)
    W3 = jax.random.normal(ks[8], (LAT, N * F), dtype=jnp.float32) * (1.0 / np.sqrt(LAT))
    b3 = jnp.zeros((N * F,), dtype=jnp.float32)
    return {"x": x, "a": a, "eps": eps, "W_gcn": W_gcn, "b_gcn": b_gcn,
            "gamma": gamma, "beta": beta, "W1": W1, "b1": b1,
            "Wzm": Wzm, "bzm": bzm, "Wzl": Wzl, "bzl": bzl,
            "W2": W2, "b2": b2, "W3": W3, "b3": b3}


def reference(x, a, eps, W_gcn, b_gcn, gamma, beta, W1, b1, Wzm, bzm, Wzl, bzl, W2, b2, W3, b3):
    # GCNConv: relu(A @ X @ W + b)  (spektral-style modal dot with dense batched adjacency)
    xw = jnp.einsum('bnf,fh->bnh', x, W_gcn)
    h = jnp.einsum('bnm,bmh->bnh', a, xw) + b_gcn
    h = jax.nn.relu(h)
    # BatchNormalization, inference mode (moving_mean=0, moving_var=1, eps=1e-3)
    bn_eps = 1e-3
    h = gamma * (h / jnp.sqrt(1.0 + bn_eps)) + beta
    # Flatten (dropout is identity at inference)
    f = h.reshape(h.shape[0], -1)
    x3 = jax.nn.relu(f @ W1 + b1)
    z_mean = x3 @ Wzm + bzm
    z_log_var = x3 @ Wzl + bzl
    # Sampling layer (epsilon supplied as input for determinism)
    z = z_mean + jnp.exp(0.5 * z_log_var) * eps
    x4 = jax.nn.sigmoid(z @ W2 + b2)
    decodedA = x4.reshape(-1, N, N)
    x5 = jnp.tanh(z @ W3 + b3)
    decodedX = x5.reshape(-1, N, F)
    return (decodedX, decodedA)

if __name__ == "__main__":
    import jax
    _d = setup_inputs()
    print(jax.jit(kernel)(*tuple(_d.values())))

</pallas_src>

<mosaic_0001>
module attributes {stable_mosaic.version = 14 : i64} {
  func.func @_gcn_body(%arg0: i32, %arg1: memref<1x512x14xf32, #tpu.memory_space<vmem>>, %arg2: memref<1x512x512xf32, #tpu.memory_space<vmem>>, %arg3: memref<14x64xf32, #tpu.memory_space<vmem>>, %arg4: memref<1x64xf32, #tpu.memory_space<vmem>>, %arg5: memref<1x64xf32, #tpu.memory_space<vmem>>, %arg6: memref<1x64xf32, #tpu.memory_space<vmem>>, %arg7: memref<1x512x64xf32, #tpu.memory_space<vmem>>) attributes {dimension_semantics = [#tpu.dimension_semantics<arbitrary>], iteration_bounds = array<i64: 64>, scalar_prefetch = 0 : i64, scratch_operands = 0 : i64, tpu.core_type = #tpu.core_type<tc>, window_params = [{transform_indices = @transform_0, window_bounds = array<i64: 1, 512, 14>}, {transform_indices = @transform_1, window_bounds = array<i64: 1, 512, 512>}, {pipeline_mode = #tpu.pipeline_mode<synchronous>, transform_indices = @transform_2, window_bounds = array<i64: 14, 64>}, {pipeline_mode = #tpu.pipeline_mode<synchronous>, transform_indices = @transform_3, window_bounds = array<i64: 1, 64>}, {pipeline_mode = #tpu.pipeline_mode<synchronous>, transform_indices = @transform_4, window_bounds = array<i64: 1, 64>}, {pipeline_mode = #tpu.pipeline_mode<synchronous>, transform_indices = @transform_5, window_bounds = array<i64: 1, 64>}, {transform_indices = @transform_6, window_bounds = array<i64: 1, 512, 64>}]} {
    %get3A = arith.constant 0 : index
    %get3A_0 = arith.constant 0 : index
    %get3A_1 = arith.constant 0 : index
    %get3A_2 = vector.load %arg1[%get3A, %get3A_0, %get3A_1] : memref<1x512x14xf32, #tpu.memory_space<vmem>>, vector<1x512x14xf32>
    %get3A_3 = vector.shape_cast %get3A_2 : vector<1x512x14xf32> to vector<512x14xf32>
    %get3A_4 = arith.constant 0 : index
    %get3A_5 = arith.constant 0 : index
    %get3A_6 = vector.load %arg3[%get3A_4, %get3A_5] : memref<14x64xf32, #tpu.memory_space<vmem>>, vector<14x64xf32>
    %dot_general3A = arith.constant dense<0.000000e+00> : vector<512x64xf32>
    %dot_general3A_7 = tpu.matmul %get3A_3, %get3A_6, %dot_general3A {dimension_numbers = #tpu.dot_dimension_numbers<[1], [0], [0], [1], [0, 0, 1, 1], [], []>, transpose_lhs_hint = false} : vector<512x14xf32>, vector<14x64xf32>, vector<512x64xf32> -> vector<512x64xf32>
    %get3A_8 = arith.constant 0 : index
    %get3A_9 = arith.constant 0 : index
    %get3A_10 = arith.constant 0 : index
    %get3A_11 = vector.load %arg2[%get3A_8, %get3A_9, %get3A_10] : memref<1x512x512xf32, #tpu.memory_space<vmem>>, vector<1x512x512xf32>
    %get3A_12 = vector.shape_cast %get3A_11 : vector<1x512x512xf32> to vector<512x512xf32>
    %dot_general3A_13 = arith.constant dense<0.000000e+00> : vector<512x64xf32>
    %dot_general3A_14 = tpu.matmul %get3A_12, %dot_general3A_7, %dot_general3A_13 {dimension_numbers = #tpu.dot_dimension_numbers<[1], [0], [0], [1], [0, 0, 1, 1], [], []>, transpose_lhs_hint = false} : vector<512x512xf32>, vector<512x64xf32>, vector<512x64xf32> -> vector<512x64xf32>
    %get3A_15 = arith.constant 0 : index
    %get3A_16 = arith.constant 0 : index
    %get3A_17 = vector.load %arg4[%get3A_15, %get3A_16] : memref<1x64xf32, #tpu.memory_space<vmem>>, vector<1x64xf32>
    %add3A = vector.broadcast %get3A_17 : vector<1x64xf32> to vector<512x64xf32>
    %add3A_18 = arith.addf %dot_general3A_14, %add3A : vector<512x64xf32>
    %max3A = arith.constant 0.000000e+00 : f32
    %max3A_19 = vector.broadcast %max3A : f32 to vector<512x64xf32>
    %max3A_20 = arith.maximumf %add3A_18, %max3A_19 : vector<512x64xf32>
    %get3A_21 = arith.constant 0 : index
    %get3A_22 = arith.constant 0 : index
    %get3A_23 = vector.load %arg5[%get3A_21, %get3A_22] : memref<1x64xf32, #tpu.memory_space<vmem>>, vector<1x64xf32>
    %mul3A = vector.broadcast %get3A_23 : vector<1x64xf32> to vector<512x64xf32>
    %mul3A_24 = arith.mulf %max3A_20, %mul3A : vector<512x64xf32>
    %get3A_25 = arith.constant 0 : index
    %get3A_26 = arith.constant 0 : index
    %get3A_27 = vector.load %arg6[%get3A_25, %get3A_26] : memref<1x64xf32, #tpu.memory_space<vmem>>, vector<1x64xf32>
    %add3A_28 = vector.broadcast %get3A_27 : vector<1x64xf32> to vector<512x64xf32>
    %add3A_29 = arith.addf %mul3A_24, %add3A_28 : vector<512x64xf32>
    %swap3A = arith.constant 0 : index
    %swap3A_30 = arith.constant 0 : index
    %swap3A_31 = arith.constant 0 : index
    %swap3A_32 = vector.load %arg7[%swap3A, %swap3A_30, %swap3A_31] : memref<1x512x64xf32, #tpu.memory_space<vmem>>, vector<1x512x64xf32>
    %swap3A_33 = vector.shape_cast %swap3A_32 : vector<1x512x64xf32> to vector<512x64xf32>
    %swap3A_34 = vector.shape_cast %add3A_29 : vector<512x64xf32> to vector<1x512x64xf32>
    tpu.vector_store %arg7[%swap3A, %swap3A_30, %swap3A_31], %swap3A_34 {strides = array<i32>} : memref<1x512x64xf32, #tpu.memory_space<vmem>>, vector<1x512x64xf32>,
    return
  }
  func.func @transform_0(%arg0: i32) -> (i32, i32, i32) {
    %c0_i32 = arith.constant 0 : i32
    %c0_i32_0 = arith.constant 0 : i32
    %c0_i32_1 = arith.constant 0 : i32
    return %arg0, %c0_i32, %c0_i32_0 : i32, i32, i32
  }
  func.func @transform_1(%arg0: i32) -> (i32, i32, i32) {
    %c0_i32 = arith.constant 0 : i32
    %c0_i32_0 = arith.constant 0 : i32
    %c0_i32_1 = arith.constant 0 : i32
    return %arg0, %c0_i32, %c0_i32_0 : i32, i32, i32
  }
  func.func @transform_2(%arg0: i32) -> (i32, i32) {
    %c0_i32 = arith.constant 0 : i32
    %c0_i32_0 = arith.constant 0 : i32
    %c0_i32_1 = arith.constant 0 : i32
    return %c0_i32, %c0_i32_0 : i32, i32
  }
  func.func @transform_3(%arg0: i32) -> (i32, i32) {
    %c0_i32 = arith.constant 0 : i32
    %c0_i32_0 = arith.constant 0 : i32
    %c0_i32_1 = arith.constant 0 : i32
    return %c0_i32, %c0_i32_0 : i32, i32
  }
  func.func @transform_4(%arg0: i32) -> (i32, i32) {
    %c0_i32 = arith.constant 0 : i32
    %c0_i32_0 = arith.constant 0 : i32
    %c0_i32_1 = arith.constant 0 : i32
    return %c0_i32, %c0_i32_0 : i32, i32
  }
  func.func @transform_5(%arg0: i32) -> (i32, i32) {
    %c0_i32 = arith.constant 0 : i32
    %c0_i32_0 = arith.constant 0 : i32
    %c0_i32_1 = arith.constant 0 : i32
    return %c0_i32, %c0_i32_0 : i32, i32
  }
  func.func @transform_6(%arg0: i32) -> (i32, i32, i32) {
    %c0_i32 = arith.constant 0 : i32
    %c0_i32_0 = arith.constant 0 : i32
    %c0_i32_1 = arith.constant 0 : i32
    return %arg0, %c0_i32, %c0_i32_0 : i32, i32, i32
  }
}

module attributes {stable_mosaic.version = 14 : i64} {
  func.func @_latent_body(%arg0: memref<64x32768xf32, #tpu.memory_space<vmem>>, %arg1: memref<32768x64xf32, #tpu.memory_space<vmem>>, %arg2: memref<1x64xf32, #tpu.memory_space<vmem>>, %arg3: memref<64x64xf32, #tpu.memory_space<vmem>>, %arg4: memref<1x64xf32, #tpu.memory_space<vmem>>, %arg5: memref<64x64xf32, #tpu.memory_space<vmem>>, %arg6: memref<1x64xf32, #tpu.memory_space<vmem>>, %arg7: memref<64x64xf32, #tpu.memory_space<vmem>>, %arg8: memref<64x7168xf32, #tpu.memory_space<vmem>>, %arg9: memref<1x7168xf32, #tpu.memory_space<vmem>>, %arg10: memref<64x64xf32, #tpu.memory_space<vmem>>, %arg11: memref<64x7168xf32, #tpu.memory_space<vmem>>) attributes {dimension_semantics = [], scalar_prefetch = 0 : i64, scratch_operands = 0 : i64, tpu.core_type = #tpu.core_type<tc>} {
    %get3A = arith.constant 0 : index
    %get3A_0 = arith.constant 0 : index
    %get3A_1 = vector.load %arg0[%get3A, %get3A_0] : memref<64x32768xf32, #tpu.memory_space<vmem>>, vector<64x32768xf32>
    %get3A_2 = arith.constant 0 : index
    %get3A_3 = arith.constant 0 : index
    %get3A_4 = vector.load %arg1[%get3A_2, %get3A_3] : memref<32768x64xf32, #tpu.memory_space<vmem>>, vector<32768x64xf32>
    %dot_general3A = arith.constant dense<0.000000e+00> : vector<64x64xf32>
    %dot_general3A_5 = tpu.matmul %get3A_1, %get3A_4, %dot_general3A {dimension_numbers = #tpu.dot_dimension_numbers<[1], [0], [0], [1], [0, 0, 1, 1], [], []>, transpose_lhs_hint = false} : vector<64x32768xf32>, vector<32768x64xf32>, vector<64x64xf32> -> vector<64x64xf32>
    %get3A_6 = arith.constant 0 : index
    %get3A_7 = arith.constant 0 : index
    %get3A_8 = vector.load %arg2[%get3A_6, %get3A_7] : memref<1x64xf32, #tpu.memory_space<vmem>>, vector<1x64xf32>
    %add3A = vector.broadcast %get3A_8 : vector<1x64xf32> to vector<64x64xf32>
    %add3A_9 = arith.addf %dot_general3A_5, %add3A : vector<64x64xf32>
    %max3A = arith.constant 0.000000e+00 : f32
    %max3A_10 = vector.broadcast %max3A : f32 to vector<64x64xf32>
    %max3A_11 = arith.maximumf %add3A_9, %max3A_10 : vector<64x64xf32>
    %get3A_12 = arith.constant 0 : index
    %get3A_13 = arith.constant 0 : index
    %get3A_14 = vector.load %arg3[%get3A_12, %get3A_13] : memref<64x64xf32, #tpu.memory_space<vmem>>, vector<64x64xf32>
    %dot_general3A_15 = arith.constant dense<0.000000e+00> : vector<64x64xf32>
    %dot_general3A_16 = tpu.matmul %max3A_11, %get3A_14, %dot_general3A_15 {dimension_numbers = #tpu.dot_dimension_numbers<[1], [0], [0], [1], [0, 0, 1, 1], [], []>, transpose_lhs_hint = false} : vector<64x64xf32>, vector<64x64xf32>, vector<64x64xf32> -> vector<64x64xf32>
    %get3A_17 = arith.constant 0 : index
    %get3A_18 = arith.constant 0 : index
    %get3A_19 = vector.load %arg4[%get3A_17, %get3A_18] : memref<1x64xf32, #tpu.memory_space<vmem>>, vector<1x64xf32>
    %add3A_20 = vector.broadcast %get3A_19 : vector<1x64xf32> to vector<64x64xf32>
    %add3A_21 = arith.addf %dot_general3A_16, %add3A_20 : vector<64x64xf32>
    %get3A_22 = arith.constant 0 : index
    %get3A_23 = arith.constant 0 : index
    %get3A_24 = vector.load %arg5[%get3A_22, %get3A_23] : memref<64x64xf32, #tpu.memory_space<vmem>>, vector<64x64xf32>
    %dot_general3A_25 = arith.constant dense<0.000000e+00> : vector<64x64xf32>
    %dot_general3A_26 = tpu.matmul %max3A_11, %get3A_24, %dot_general3A_25 {dimension_numbers = #tpu.dot_dimension_numbers<[1], [0], [0], [1], [0, 0, 1, 1], [], []>, transpose_lhs_hint = false} : vector<64x64xf32>, vector<64x64xf32>, vector<64x64xf32> -> vector<64x64xf32>
    %get3A_27 = arith.constant 0 : index
    %get3A_28 = arith.constant 0 : index
    %get3A_29 = vector.load %arg6[%get3A_27, %get3A_28] : memref<1x64xf32, #tpu.memory_space<vmem>>, vector<1x64xf32>
    %add3A_30 = vector.broadcast %get3A_29 : vector<1x64xf32> to vector<64x64xf32>
    %add3A_31 = arith.addf %dot_general3A_26, %add3A_30 : vector<64x64xf32>
    %mul3A = arith.constant 5.000000e-01 : f32
    %mul3A_32 = vector.broadcast %mul3A : f32 to vector<64x64xf32>
    %mul3A_33 = arith.mulf %mul3A_32, %add3A_31 : vector<64x64xf32>
    %exp3A = math.exp %mul3A_33 : vector<64x64xf32>
    %get3A_34 = arith.constant 0 : index
    %get3A_35 = arith.constant 0 : index
    %get3A_36 = vector.load %arg7[%get3A_34, %get3A_35] : memref<64x64xf32, #tpu.memory_space<vmem>>, vector<64x64xf32>
    %mul3A_37 = arith.mulf %exp3A, %get3A_36 : vector<64x64xf32>
    %add3A_38 = arith.addf %add3A_21, %mul3A_37 : vector<64x64xf32>
    %swap3A = arith.constant 0 : index
    %swap3A_39 = arith.constant 0 : index
    %swap3A_40 = vector.load %arg10[%swap3A, %swap3A_39] : memref<64x64xf32, #tpu.memory_space<vmem>>, vector<64x64xf32>
    tpu.vector_store %arg10[%swap3A, %swap3A_39], %add3A_38 {strides = array<i32>} : memref<64x64xf32, #tpu.memory_space<vmem>>, vector<64x64xf32>,
    %get3A_41 = arith.constant 0 : index
    %get3A_42 = arith.constant 0 : index
    %get3A_43 = vector.load %arg8[%get3A_41, %get3A_42] : memref<64x7168xf32, #tpu.memory_space<vmem>>, vector<64x7168xf32>
    %dot_general3A_44 = arith.constant dense<0.000000e+00> : vector<64x7168xf32>
    %dot_general3A_45 = tpu.matmul %add3A_38, %get3A_43, %dot_general3A_44 {dimension_numbers = #tpu.dot_dimension_numbers<[1], [0], [0], [1], [0, 0, 1, 1], [], []>, transpose_lhs_hint = false} : vector<64x64xf32>, vector<64x7168xf32>, vector<64x7168xf32> -> vector<64x7168xf32>
    %get3A_46 = arith.constant 0 : index
    %get3A_47 = arith.constant 0 : index
    %get3A_48 = vector.load %arg9[%get3A_46, %get3A_47] : memref<1x7168xf32, #tpu.memory_space<vmem>>, vector<1x7168xf32>
    %add3A_49 = vector.broadcast %get3A_48 : vector<1x7168xf32> to vector<64x7168xf32>
    %add3A_50 = arith.addf %dot_general3A_45, %add3A_49 : vector<64x7168xf32>
    %tanh3A = math.tanh %add3A_50 : vector<64x7168xf32>
    %swap3A_51 = arith.constant 0 : index
    %swap3A_52 = arith.constant 0 : index
    %swap3A_53 = vector.load %arg11[%swap3A_51, %swap3A_52] : memref<64x7168xf32, #tpu.memory_space<vmem>>, vector<64x7168xf32>
    tpu.vector_store %arg11[%swap3A_51, %swap3A_52], %tanh3A {strides = array<i32>} : memref<64x7168xf32, #tpu.memory_space<vmem>>, vector<64x7168xf32>,
    return
  }
}

module attributes {stable_mosaic.version = 14 : i64} {
  func.func @_adj_body(%arg0: i32, %arg1: memref<64x64xf32, #tpu.memory_space<vmem>>, %arg2: memref<64x4096xf32, #tpu.memory_space<vmem>>, %arg3: memref<1x4096xf32, #tpu.memory_space<vmem>>, %arg4: memref<64x4096xf32, #tpu.memory_space<vmem>>) attributes {dimension_semantics = [#tpu.dimension_semantics<arbitrary>], iteration_bounds = array<i64: 64>, scalar_prefetch = 0 : i64, scratch_operands = 0 : i64, tpu.core_type = #tpu.core_type<tc>, window_params = [{pipeline_mode = #tpu.pipeline_mode<synchronous>, transform_indices = @transform_0, window_bounds = array<i64: 64, 64>}, {transform_indices = @transform_1, window_bounds = array<i64: 64, 4096>}, {transform_indices = @transform_2, window_bounds = array<i64: 1, 4096>}, {transform_indices = @transform_3, window_bounds = array<i64: 64, 4096>}]} {
    %get3A = arith.constant 0 : index
    %get3A_0 = arith.constant 0 : index
    %get3A_1 = vector.load %arg1[%get3A, %get3A_0] : memref<64x64xf32, #tpu.memory_space<vmem>>, vector<64x64xf32>
    %get3A_2 = arith.constant 0 : index
    %get3A_3 = arith.constant 0 : index
    %get3A_4 = vector.load %arg2[%get3A_2, %get3A_3] : memref<64x4096xf32, #tpu.memory_space<vmem>>, vector<64x4096xf32>
    %dot_general3A = arith.constant dense<0.000000e+00> : vector<64x4096xf32>
    %dot_general3A_5 = tpu.matmul %get3A_1, %get3A_4, %dot_general3A {dimension_numbers = #tpu.dot_dimension_numbers<[1], [0], [0], [1], [0, 0, 1, 1], [], []>, transpose_lhs_hint = false} : vector<64x64xf32>, vector<64x4096xf32>, vector<64x4096xf32> -> vector<64x4096xf32>
    %get3A_6 = arith.constant 0 : index
    %get3A_7 = arith.constant 0 : index
    %get3A_8 = vector.load %arg3[%get3A_6, %get3A_7] : memref<1x4096xf32, #tpu.memory_space<vmem>>, vector<1x4096xf32>
    %add3A = vector.broadcast %get3A_8 : vector<1x4096xf32> to vector<64x4096xf32>
    %add3A_9 = arith.addf %dot_general3A_5, %add3A : vector<64x4096xf32>
    %logistic3A = arith.negf %add3A_9 : vector<64x4096xf32>
    %logistic3A_10 = math.exp %logistic3A : vector<64x4096xf32>
    %logistic3A_11 = arith.constant 1.000000e+00 : f32
    %logistic3A_12 = vector.broadcast %logistic3A_11 : f32 to vector<64x4096xf32>
    %logistic3A_13 = arith.addf %logistic3A_12, %logistic3A_10 : vector<64x4096xf32>
    %logistic3A_14 = arith.divf %logistic3A_12, %logistic3A_13 : vector<64x4096xf32>
    %swap3A = arith.constant 0 : index
    %swap3A_15 = arith.constant 0 : index
    %swap3A_16 = vector.load %arg4[%swap3A, %swap3A_15] : memref<64x4096xf32, #tpu.memory_space<vmem>>, vector<64x4096xf32>
    tpu.vector_store %arg4[%swap3A, %swap3A_15], %logistic3A_14 {strides = array<i32>} : memref<64x4096xf32, #tpu.memory_space<vmem>>, vector<64x4096xf32>,
    return
  }
  func.func @transform_0(%arg0: i32) -> (i32, i32) {
    %c0_i32 = arith.constant 0 : i32
    %c0_i32_0 = arith.constant 0 : i32
    %c0_i32_1 = arith.constant 0 : i32
    return %c0_i32, %c0_i32_0 : i32, i32
  }
  func.func @transform_1(%arg0: i32) -> (i32, i32) {
    %c0_i32 = arith.constant 0 : i32
    %c0_i32_0 = arith.constant 0 : i32
    return %c0_i32, %arg0 : i32, i32
  }
  func.func @transform_2(%arg0: i32) -> (i32, i32) {
    %c0_i32 = arith.constant 0 : i32
    %c0_i32_0 = arith.constant 0 : i32
    return %c0_i32, %arg0 : i32, i32
  }
  func.func @transform_3(%arg0: i32) -> (i32, i32) {
    %c0_i32 = arith.constant 0 : i32
    %c0_i32_0 = arith.constant 0 : i32
    return %c0_i32, %arg0 : i32, i32
  }
}

</mosaic_0001>

<sc_bundles>
// kernel: sparse-core-data-format-call.cloned.1.call-start
scs
called_computation_lowered:
.L_overlay_start_0:
0x0: {  	s2 =	sld [smem:$0x3FD9]  }
0x1: {  	s3 =	sld [smem:$0x3FFE];
	_ =	sdelay $0x1  }
0x2: {  	s1 =	srdreg.scid  }
0x3: {  	s0 =	sand.u32 $0x1, s1  }
0x4: {  	s15 =	sshll.u32 s0, $0xA;
	s2 =	sadd.s32 s3, s2  }
0x5: {  	s2 =	sadd.s32 s2, s15  }
0x6: {  	[smem:$0x3FB7] =	sst s2  }
0x7: {  	_ = 	snop  }
0x8: {  	s2 =	sld [smem:$0x3FD0];
	_ =	sdelay $0x2  }
0x9: {  	s16 =	simm.s32 $0xA;
	s4 =	simm.s32 $0x10  }
0xa: {  	[smem:s4], [sflag:s16] =	dma.local [hbm:s2], $0x1  }
0xb: {  	_ =	swait.eq [sflag:s16], $0x1  }
0xc: {  	[sflag:s16] =	ssyncset.done $0x0  }
0xd: {  	[sflag:s16] =	ssyncadd.s32 $0xFFFFFFFF  }
0xe: {  	s17 =	sld [smem:$0x11];
	(tm) =	ssettm $0x1  }
0xf: {  	s18 =	sld [smem:$0x3FFB];
	_ =	sdelay $0x3  }
0x10: {  	_ =	strace s18  }
0x11: {  	s3 =	sld [smem:$0x3FFC];
	_ =	sdelay $0x3  }
0x12: {  	_ =	strace s3  }
0x13: {  	s3 =	sld [smem:$0x3FFD];
	_ =	sdelay $0x3  }
0x14: {  	_ =	strace s3  }
0x15: {  	_ =	strace $0x8FFFFFFF  }
0x16: {  	s19 =	sld [smem:$0x3FDB];
	_ =	sdelay $0x1  }
0x17: {  	s20 =	simm.s32 $_scs_section_size  }
0x18: {  	s5 =	simm.s32 $_size__tile_overlayer_lowered;
	s6 =	simm.s32 $_tile_overlayer_lowered  }
0x19: {  	s23 =	simm.s32 $0x1BFF;
	s22 =	sshll.u32 s6, $0x1;
	s3 =	sadd.s32 s20, s19  }
0x1a: {  	s7 =	simm.s32 $0x0;
	s21 =	sshll.u32 s5, $0x1;
	s5 =	sadd.s32 s22, s3  }
0x1b: {  	[timem:s7], [sflag:s23] =	dma.local [hbm:s5], s21  }
0x1c: {  	_ =	swait.ge [sflag:s23], s21  }
0x1d: {  	s4 =	ssub.s32 $0x0, s21;
	[sflag:s23] =	ssyncset.done $0x0  }
0x1e: {  	[sflag:s23] =	ssyncadd.s32 s4;
	_ =	sdelay $0x1  }
0x1f: {  	s24 =	simm.s32 $0x1B8B  }
0x20: {  	_ =	swait.ge [sflag:s24], $0x1  }
0x21: {  	[sflag:s24] =	ssyncset.done $0x0  }
0x22: {  	s26 =	simm.s32 $0x1B8E;
	s25 =	sld [smem:$0x3FFE];
	[sflag:s24] =	ssyncadd.s32 $0xFFFFFFFF  }
0x23: {  	s27 =	simm.s32 $execute0_lowered;
	[smem:$0x3FD2] =	sst s26  }
0x24: {  	s5 =	sshll.u32 s27, $0x1;
	_ =	strace $0x80000046;
	[dreg:$0x1] =	wrdreg $0xFFFFFFFF  }
0x25: {  	s28 =	simm.s32 $_size_execute0_lowered;
	s3 =	sadd.s32 s3, s5;
	[dreg:$0x0] =	wrdreg $0x0  }
0x26: {  	s5 =	sshll.u32 s28, $0x1;
	[dreg:$0x2] =	wrdreg s3  }
0x27: {  	[dreg:$0x3] =	wrdreg s5  }
0x28: {  	[dreg:$0x4] =	wrdreg $0xC0  }
0x29: {  	_ =	task [dreg:s7], $0x5FFFF  }
0x2a: {  	[dreg:$0x1] =	wrdreg $0xFFFFFFFF  }
0x2b: {  	[dreg:$0x0] =	wrdreg $0x60  }
0x2c: {  	[dreg:$0x2] =	wrdreg s25  }
0x2d: {  	[dreg:$0x3] =	wrdreg s17  }
0x2e: {  	[dreg:$0x4] =	wrdreg $0x9  }
0x2f: {  	_ =	task.clear_ibuf [dreg:s7], $0x5FFFF;
	_ =	strace $0x90000046  }
0x30: {  	s29 =	simm.s32 $0x9;
	_ =	strace $0x80000048  }
0x31: {  	_ =	swait.ge [sflag:s29], $0x1  }
0x32: {  	[sflag:s29] =	ssyncadd.s32 $0xFFFFFFFF  }
0x33: {  	_ =	strace $0x90000048  }
0x34: {  	_ =	sfence  }
0x35: {  	s30 =	sld [smem:$0x0];
	_ =	sdelay $0x2  }
0x36: {  	s31 =	sshll.u32 s1, $0xD;
	s1 =	sshrl.u32 s1, $0x2  }
0x37: {  	s3 =	sand.u32 $0x4000, s31;
	s1 =	sadd.s32 s1, s30  }
0x38: {  	s0 =	sor.u32 s3, s0;
	s1 =	sshll.u32 s1, $0x11  }
0x39: {  	s0 =	sor.u32 s1, s0  }
0x3a: {  	s0 =	sadd.s32 $0x8F2B, s0  }
0x3b: {  	[sflag:s0] =	ssyncadd.remote.s32 $0x1  }
0x3c: {  	_ =	sfence.sel $0xFFFF  }
0x3d: {  	[dreg:$0x0] =	wrdreg $0xFFFFFFFF;
	(pc) =	sbr.abs _section_cstart, $3  }
0x3e: {  	[dreg:$0x1] =	wrdreg $0xFFFFFFFF  }
0x3f: {  	_ =	task.clear_ibuf [dreg:s7], $0x2FFFF;
	_ =	strace $0x9FFFFFFF  }
0x40: {  	(tm) =	ssettm $0x7FFFFFFF  }
0x41: {  	_ =	shalt  }
tec
execute0_lowered:
.L_overlay_start_1:
0x0: {  	(tag) =	ssettag $0x1  }
0x1: {  	s0 =	srdreg.scid  }
0x2: {  	s5 =	stileid.u32;
	s1 =	rddreg [dreg:$0x0]  }
0x3: {  	s2 =	rddreg [dreg:$0x1];
	_ =	strace $0x80000047;
	s6 =	simm.s32 $0x1  }
0x4: {  	s7 =	simm.s32 $0x2;
	s16 =	simm.s32 $0x0;
	s9 =	simm.s32 $0x40000  }
0x5: {  	s10 =	simm.s32 $0x0;
	s17 =	simm.s32 $0x0;
	s0 =	sshll.u32 s0, $0x4  }
0x6: {  	s19 =	simm.s32 $0x0;
	s18 =	simm.s32 $0x0;
	s0 =	sor.u32 s5, s0  }
0x7: {  	s11 =	simm.s32 $0x0;
	s12 =	simm.s32 $0x0;
	s3 =	sand.u32 $0x18, s0  }
0x8: {  	s15 =	simm.s32 $0x0;
	s25 =	simm.s32 $0x0;
	s0 =	ssub.s32 $0x200, s3  }
.Ltmp0:
0x9: {  	s4 =	sadd.s32 $0x2200, s1;
	s31 =	sand.u32 $0x18, s0;
	(pc) =	sbr.rel .LBB1_1-.Ltmp0, $4  }
0xa: {  	s1 =	simm.s32 $0x1;
	[sflag:s6] =	ssyncpa.u1 $0x0;
	p0 =	sne.s32 s31, $0x0  }
0xb: {  	s5 =	sand.u32 $0x7, s5;
	s0 =	sshrl.u32 s0, $0x5;
	s1 =	simm.s32 @!p0 $0x0  }
0xc: {  	[sflag:s7] =	ssyncpa.u1 $0x0;
	s14 =	smov.u32 s5;
	s0 =	sadd.s32 s1, s0  }
0xd: {  	s13 =	smov.u32 s3;
	s7 =	sshll.u32 s0, $0x1;
	s8 =	sshllo.u32 s0, $0x1  }
.LBB1_7:
0xe: {  	s0 =	sadd.s32 $0x100, s11  }
0xf: {  	s1 =	sadd.s32 $0x8, s12;
	s20 =	smov.u32 s12;
	p1 =	sgt.s32 s0, $0x1FF  }
0x10: {  	s20 =	smov.u32 @p1 s1  }
0x11: {  	s21 =	smov.u32 s13;
	s1 =	sadd.s32 $0x20, s13;
	p2 =	sgt.s32 s20, $0x7  }
0x12: {  	s21 =	smov.u32 @p2 s1  }
0x13: {  	s22 =	smov.u32 s14;
	s1 =	sadd.s32 $0x8, s14;
	p3 =	sgt.s32 s21, $0x1FF  }
0x14: {  	p0 =	slt.u32 s15, $0x2;
	s22 =	smov.u32 @p3 s1  }
0x15: {  	s16 =	smov.u32 s11;
	s0 =	simm.s32 @p1 $0x0;
	p1 =	sgt.s32 s22, $0x7  }
0x16: {  	s17 =	smov.u32 s12;
	s22 =	smov.u32 @p1 s5;
	p1 =	sne.s32 s15, s8  }
.Ltmp1:
0x17: {  	s19 =	smov.u32 s13;
	s18 =	smov.u32 s14;
	(pc) =	sbr.rel @!p1 .LBB1_8-.Ltmp1, $4  }
0x18: {  	s10 =	sadd.s32 $0x4000, s10;
	s11 =	smov.u32 s0;
	s1 =	simm.s32 @!p0 $0x2  }
0x19: {  	s20 =	simm.s32 @p2 $0x0;
	s21 =	smov.u32 @p3 s3;
	_ =	swait.ge @!p0 [sflag:s1], $0x4000  }
0x1a: {  	s12 =	smov.u32 s20;
	s13 =	smov.u32 s21;
	[sflag:s1] =	ssyncset.done @!p0 $0x0  }
0x1b: {  	s15 =	sadd.s32 $0x1, s15;
	[sflag:s1] =	ssyncadd.s32 @!p0 $0xFFFFC000;
	s14 =	smov.u32 s22  }
.LBB1_1:
0x1c: {  	p0 =	sge.u32 s15, s7  }
0x1d: {  	s31 =	sadd.s32 $0xFFFFFFFF, s15;
	s0 =	sxor.u32 @!p0 $0xFFFFFFFF, s15;
	s1 =	sshll.u32 @!p0 s11, $0x3  }
0x1e: {  	s20 =	sshll.u32 @!p0 s12, $0x7;
	s21 =	sand.u32 @!p0 $0x78, s11;
	s22 =	sshll.u32 @!p0 s14, $0x12  }
0x1f: {  	s23 =	sshll.u32 @!p0 s13, $0x9;
	s0 =	sshll.u32 @!p0 s0, $0xE;
	s20 =	sand.u32 @!p0 $0x380, s20  }
0x20: {  	s1 =	sand.u32 @!p0 $0xC00, s1;
	s0 =	sand.u32 @!p0 $0x4000, s0;
	s20 =	sor.u32 @!p0 s21, s20  }
0x21: {  	s21 =	sand.u32 @!p0 $0x7, s11;
	s1 =	sor.u32 @!p0 s1, s20;
	s20 =	sadd.s32 @!p0 s4, s22  }
0x22: {  	s21 =	sshll.u32 @!p0 s21, $0x12;
	s1 =	sshrl.u32 @!p0 s1, $0x3;
	s20 =	sadd.s32 @!p0 s23, s20  }
0x23: {  	s1 =	sadd.s32 @!p0 s1, s20;
	s20 =	sor.u32 @!p0 $0x800, s21;
	s21 =	simm.s32 @!p0 $0x1000  }
0x24: {  	[tilespmem:s0], [sflag:$0x1] =	stream.strided.gather @!p0 [hbm4b:s1+s20], $0x4000, s21, s20, $0x38;
	[tilespmem:$0x10000] =	vst v63  }
0x25: {  	p0 =	sge.u32 s31, s7  }
.Ltmp2:
0x26: {  	_ = 	snop;
	(pc) =	sbr.rel @p0 .LBB1_7-.Ltmp2, $1  }
0x27: {  	_ =	sdelay $0x3  }
0x28: {  	s0 =	sshll.u32 s10, $0x2;
	_ =	swait.ge [sflag:s6], $0x4000;
	s1 =	sshll.u32 s15, $0xE  }
0x29: {  	p0 =	por $0x0, $0x0;
	s26 =	simm.s32 $0x0;
	s27 =	simm.s32 $0x0  }
0x2a: {  	s0 =	sand.u32 $0x10000, s0;
	[sflag:s6] =	ssyncset.done $0x0;
	s23 =	sand.u32 $0x4000, s1  }
0x2b: {  	s0 =	sshrl.u32 s0, $0x2;
	[sflag:s6] =	ssyncadd.s32 $0xFFFFC000;
	s20 =	sor.u32 $0x8000, s23  }
0x2c: {  	s21 =	sor.u32 $0x40, s0;
	s22 =	sor.u32 $0x8410, s0;
	s24 =	sadd.s32 $0x8400, s0  }
.LBB1_3:
0x2d: {  	v1 =	vld [tilespmem:s21+$0xFFFFFFD0]  }
0x2e: {  	v2 =	vld [tilespmem:s21+$0x430]  }
0x2f: {  	s0 =	sshll.u32 s27, $0xB;
	v4 =	vld [tilespmem:s21+$0xFFFFFFE0]  }
0x30: {  	v7 =	vld [tilespmem:s21+$0xFFFFFFF0];
	v0 =	vmov s0  }
0x31: {  	v8 =	vld [tilespmem:s21+$0x0]  }
0x32: {  	v9 =	vld [tilespmem:s21+$0x10];
	s0 =	sand.u32 $0x300, s25  }
0x33: {  	s1 =	sand.u32 $0x80, s25;
	v10 =	vld [tilespmem:s21+$0x20];
	s0 =	sadd.s32 s0, s23  }
0x34: {  	v11 =	vld [tilespmem:s21+$0x30];
	s0 =	sadd.s32 s1, s0;
	s1 =	simm.s32 $0x1;
	[tilespmem:s22+$0x60] =	vst v2  }
0x35: {  	s1 =	simm.s32 @!p0 $0x0;
	[tilespmem:s22+$0xFFFFFC00] =	vst v1;
	v3 =	vld.idx.msk [tilespmem:v0+s0+$0x400 ss:$0x1], $0xffff;
	s0 =	sshll.u32 s26, $0x2  }
0x36: {  	v6 =	vld [tilespmem:s21+$0x3D0];
	s1 =	sshll.u32 s1, $0x9;
	[tilespmem:s22+$0xFFFFFC10] =	vst v4;
	s0 =	sand.u32 $0xFFFFFC00, s0  }
0x37: {  	v5 =	vld [tilespmem:s21+$0x3E0];
	[tilespmem:s22+$0xFFFFFC20] =	vst v7;
	s0 =	sor.u32 s1, s0  }
0x38: {  	[tilespmem:s22+$0xFFFFFC30] =	vst v8;
	v4 =	vld [tilespmem:s21+$0x400];
	s0 =	sshrl.u32 s0, $0x2  }
0x39: {  	[tilespmem:s22+$0xFFFFFC40] =	vst v9;
	v1 =	vld [tilespmem:s21+$0x410];
	s28 =	sadd.s32 s0, s24  }
0x3a: {  	[tilespmem:s28+$0x0] =	vst v3;
	v3 =	vld [tilespmem:s21+$0x3F0]  }
0x3b: {  	s31 =	simm.s32 $0x100;
	[tilespmem:s22+$0xFFFFFC50] =	vst v10;
	v2 =	vld [tilespmem:s21+$0x420];
	s1 =	simm.s32 $0x80  }
0x3c: {  	s29 =	sadd.s32 $0x80, s21;
	s30 =	smov.u32 s22;
	v7 =	vld [tilespmem:s21+$0xFFFFFFC0];
	[tilespmem:s22+$0xFFFFFC60] =	vst v11;
	s0 =	sand.u32 $0x300, s1  }
.LBB1_4:
0x3d: {  	p1 =	sne.s32 s31, $0x380;
	v8 =	vld [tilespmem:s29+$0xFFFFFFD0];
	s1 =	sand.u32 $0x80, s1;
	s0 =	sadd.s32 s0, s23;
	[tilespmem:s30+$0x0] =	vst v6  }
0x3e: {  	s0 =	sadd.s32 s1, s0;
	v6 =	vld [tilespmem:s29+$0x430];
	[tilespmem:s30+$0x10] =	vst v5;
	s1 =	smov.u32 s31  }
0x3f: {  	v5 =	vld.idx.msk [tilespmem:v0+s0+$0x400 ss:$0x1], $0xffff;
	[tilespmem:s30+$0x20] =	vst v3  }
0x40: {  	v3 =	vld [tilespmem:s29+$0xFFFFFFE0];
	[tilespmem:s30+$0x30] =	vst v4  }
0x41: {  	v4 =	vld [tilespmem:s29+$0xFFFFFFF0];
	[tilespmem:s30+$0xFFFFFBF0] =	vst v7  }
0x42: {  	v7 =	vld [tilespmem:s29+$0x0];
	[tilespmem:s30+$0x40] =	vst v1  }
0x43: {  	v1 =	vld [tilespmem:s29+$0x10];
	[tilespmem:s30+$0x50] =	vst v2;
	s30 =	sadd.s32 $0x800, s30  }
0x44: {  	s28 =	sadd.s32 $0x800, s28;
	v2 =	vld [tilespmem:s29+$0x20];
	[tilespmem:s30+$0x60] =	vst v6  }
0x45: {  	v9 =	vld [tilespmem:s29+$0x30];
	[tilespmem:s28+$0x0] =	vst v5  }
0x46: {  	[tilespmem:s30+$0xFFFFFC00] =	vst v8;
	v6 =	vld [tilespmem:s29+$0x3D0]  }
0x47: {  	[tilespmem:s30+$0xFFFFFC10] =	vst v3;
	v5 =	vld [tilespmem:s29+$0x3E0]  }
.Ltmp3:
0x48: {  	[tilespmem:s30+$0xFFFFFC20] =	vst v4;
	v3 =	vld [tilespmem:s29+$0x3F0];
	(pc) =	sbr.rel @p1 .LBB1_4-.Ltmp3, $4  }
0x49: {  	[tilespmem:s30+$0xFFFFFC30] =	vst v7;
	v4 =	vld [tilespmem:s29+$0x400]  }
0x4a: {  	[tilespmem:s30+$0xFFFFFC40] =	vst v1;
	v1 =	vld [tilespmem:s29+$0x410]  }
0x4b: {  	[tilespmem:s30+$0xFFFFFC50] =	vst v2;
	v2 =	vld [tilespmem:s29+$0x420]  }
0x4c: {  	s31 =	sadd.s32 $0x80, s31;
	s0 =	sand.u32 $0x300, s1;
	v7 =	vld [tilespmem:s29+$0xFFFFFFC0];
	[tilespmem:s30+$0xFFFFFC60] =	vst v9;
	s29 =	sadd.s32 $0x80, s29  }
0x4d: {  	[tilespmem:s30+$0x0] =	vst v6  }
0x4e: {  	[tilespmem:s30+$0x10] =	vst v5  }
0x4f: {  	v49 =	vld [tilespmem:s29+$0x430];
	[tilespmem:s30+$0x20] =	vst v3  }
0x50: {  	v50 =	vld [tilespmem:s29+$0xFFFFFFD0];
	[tilespmem:s30+$0x30] =	vst v4  }
0x51: {  	v51 =	vld [tilespmem:s29+$0xFFFFFFE0];
	[tilespmem:s30+$0x40] =	vst v1  }
0x52: {  	v52 =	vld [tilespmem:s29+$0xFFFFFFF0];
	[tilespmem:s30+$0x50] =	vst v2  }
0x53: {  	v53 =	vld [tilespmem:s29+$0x0];
	[tilespmem:s30+$0xFFFFFBF0] =	vst v7;
	s30 =	sadd.s32 $0x800, s30  }
0x54: {  	v54 =	vld [tilespmem:s29+$0x10];
	[tilespmem:s30+$0x60] =	vst v49  }
0x55: {  	v55 =	vld [tilespmem:s29+$0x20];
	[tilespmem:s30+$0xFFFFFC00] =	vst v50  }
0x56: {  	v56 =	vld [tilespmem:s29+$0x30];
	[tilespmem:s30+$0xFFFFFC10] =	vst v51  }
0x57: {  	v57 =	vld [tilespmem:s29+$0x3D0];
	[tilespmem:s30+$0xFFFFFC20] =	vst v52  }
0x58: {  	v58 =	vld [tilespmem:s29+$0x3E0];
	[tilespmem:s30+$0xFFFFFC30] =	vst v53  }
0x59: {  	v59 =	vld [tilespmem:s29+$0x3F0];
	[tilespmem:s30+$0xFFFFFC40] =	vst v54  }
0x5a: {  	v60 =	vld [tilespmem:s29+$0x400];
	[tilespmem:s30+$0xFFFFFC50] =	vst v55  }
0x5b: {  	v61 =	vld [tilespmem:s29+$0xFFFFFFC0];
	[tilespmem:s30+$0xFFFFFC60] =	vst v56  }
0x5c: {  	s1 =	sand.u32 $0x80, s1;
	s0 =	sadd.s32 s0, s23;
	v62 =	vld [tilespmem:s29+$0x410];
	[tilespmem:s30+$0x0] =	vst v57  }
0x5d: {  	v63 =	vld [tilespmem:s29+$0x420];
	s27 =	sadd.s32 $0x1, s27;
	s0 =	sadd.s32 s1, s0;
	[tilespmem:s30+$0x10] =	vst v58  }
0x5e: {  	p1 =	sne.s32 s27, $0x8;
	v0 =	vld.idx.msk [tilespmem:v0+s0+$0x400 ss:$0x1], $0xffff;
	[tilespmem:s30+$0x20] =	vst v59  }
.Ltmp4:
0x5f: {  	[tilespmem:s30+$0x30] =	vst v60;
	(pc) =	sbr.rel @p1 .LBB1_3-.Ltmp4, $4  }
0x60: {  	[tilespmem:s30+$0xFFFFFBF0] =	vst v61  }
0x61: {  	[tilespmem:s30+$0x40] =	vst v62  }
0x62: {  	s31 =	sadd.s32 $0x800, s28;
	s21 =	sadd.s32 $0x800, s21;
	[tilespmem:s30+$0x50] =	vst v63  }
0x63: {  	s26 =	sadd.s32 $0x80, s26;
	p0 =	por !p0, !p0;
	s22 =	sadd.s32 $0x80, s22;
	[tilespmem:s31+$0x0] =	vst v0  }
0x64: {  	s0 =	sand.u32 $0x78, s16  }
0x65: {  	s1 =	sshll.u32 s19, $0x9;
	s21 =	sshll.u32 s16, $0x3;
	s28 =	sshll.u32 s19, $0x7  }
0x66: {  	s18 =	sshll.u32 s18, $0x12;
	s17 =	sshll.u32 s17, $0xF;
	s30 =	sand.u32 $0x7, s16  }
0x67: {  	s1 =	sand.u32 $0x3F000, s1;
	s21 =	sand.u32 $0x3FC00, s21;
	s29 =	sand.u32 $0x200, s28  }
0x68: {  	s19 =	sand.u32 $0x180, s28;
	s18 =	sadd.s32 s2, s18;
	s1 =	sadd.s32 s1, s21  }
.Ltmp5:
0x69: {  	s0 =	sor.u32 s19, s0;
	s1 =	sor.u32 s29, s1;
	(pc) =	sbr.rel .LBB1_7-.Ltmp5, $4  }
0x6a: {  	s17 =	sadd.s32 s17, s18;
	s0 =	sshrl.u32 s0, $0x3;
	s1 =	sshrl.u32 s1, $0x3  }
0x6b: {  	s16 =	sshll.u32 s30, $0x12;
	s0 =	sadd.s32 s0, s17;
	s1 =	sand.u32 $0x7FC0, s1  }
0x6c: {  	s31 =	sor.u32 $0x800, s16;
	s0 =	sadd.s32 s1, s0  }
0x6d: {  	[hbm4b:s0+s31] =	stream.strided.scatter [tilespmem:s20], [sflag:$0x2], $0x4000, s9, s31, $0x38;
	[tilespmem:$0x10000] =	vst v63  }
.LBB1_8:
0x6e: {  	_ =	sfence.sel $0x180000  }
0x6f: {  	s0 =	simm.s32 $0x1;
	[bflag:$0x0] =	sbarrier.arrive $0xFFFF  }
0x70: {  	s30 =	simm.s32 $0x2;
	[sflag:s0] =	ssyncpa.u1 $0x1  }
0x71: {  	[sflag:s30] =	ssyncpa.u1 $0x1  }
0x72: {  	_ =	strace $0x90000047  }
0x73: {  	s31 =	stileid.u32;
	[bflag:$0x2] =	sbarrier.arrive $0xFFFF  }
0x74: {  	p0 =	sne.s32 s31, $0x0;
	s0 =	rddreg [dreg:$0x2]  }
0x75: {  	s0 =	sadd.s32 @!p0 $0x100000, s0  }
0x76: {  	[sflag:s0] =	ssyncadd.tile.s32 @!p0 $0x1;
	_ =	shalt  }
.Lfunc_end1:
_tile_overlayer_lowered:
.L_overlay_start_2:
0x77: {  	(tag) =	ssettag $0x2  }
0x78: {  	s0 =	rddreg [dreg:$0x0];
	s2 =	stileid.u32  }
0x79: {  	s1 =	rddreg [dreg:$0x1];
	p0 =	sne.s32 s2, $0x0  }
0x7a: {  	s3 =	rddreg [dreg:$0x2];
	[bflag:$0x3] =	sbarrier.arrive $0xFFFF;
	s2 =	simm.s32 @!p0 $0x1C01  }
0x7b: {  	[timem:s3], [sflag:s2] =	dma.local @!p0 [hbm:s0], s1  }
0x7c: {  	s0 =	simm.s32 @!p0 $0x1  }
0x7d: {  	_ =	swait.ge @!p0 [sflag:s0], s1  }
0x7e: {  	s1 =	ssub.s32 @!p0 $0x0, s1;
	[sflag:s0] =	ssyncset.done @!p0 $0x0  }
0x7f: {  	[sflag:s0] =	ssyncadd.s32 @!p0 s1  }
0x80: {  	[bflag:$0x3] =	sbarrier.arrive $0xFFFF  }
0x81: {  	_ =	shalt  }

</sc_bundles>
